<compile_context>
chip_gen: v7x
topology: tpu7x:2x2x1
jax: 0.10.2.dev20260603
libtpu: 0.0.44.dev20260713+nightly
codegen_flags: <defaults>
</compile_context>

<pallas_src>
import functools

import jax
import jax.numpy as jnp
from jax import lax
from jax.experimental import pallas as pl
from jax.experimental.pallas import tpu as pltpu
from jax.experimental.pallas import tpu_sc as plsc

B_ROWS = 4096
SEQ = 200
D = 64
PAIR = 2 * D
VOCAB = 1000000
B_TOTAL = B_ROWS * SEQ

NUM_CORES = 2
NUM_SUBCORES = 16
NW = NUM_CORES * NUM_SUBCORES
PER_W = B_TOTAL // NW
CHUNK = 256
N_CHUNKS = PER_W // CHUNK
NBUF = 4
OUTER = N_CHUNKS // NBUF

_mesh = plsc.VectorSubcoreMesh(core_axis_name="c", subcore_axis_name="s")



_PREP_BK = 16384
_PREP_GRID = -(-VOCAB // _PREP_BK)


def _prep_body(tnat_ref, out_ref):
    block = tnat_ref[...]
    out_ref[:, :D] = jnp.transpose(block, (1, 0))
    out_ref[:, D:] = jnp.zeros((_PREP_BK, D), jnp.float32)


_prep_table = pl.pallas_call(
    _prep_body,
    grid=(_PREP_GRID,),
    in_specs=[pl.BlockSpec((D, _PREP_BK), lambda i: (0, i))],
    out_specs=pl.BlockSpec((_PREP_BK, PAIR), lambda i: (i, 0)),
    out_shape=jax.ShapeDtypeStruct((VOCAB, PAIR), jnp.float32),
)




@functools.partial(
    pl.kernel,
    mesh=_mesh,
    out_type=jax.ShapeDtypeStruct((B_TOTAL, 2, D), jnp.float32),
    scratch_types=(
        [pltpu.VMEM((PER_W,), jnp.int32)]
        + [pltpu.VMEM((CHUNK, D), jnp.float32) for _ in range(NBUF)]
        + [pltpu.SemaphoreType.DMA for _ in range(2 * NBUF)]
    ),
    compiler_params=pltpu.CompilerParams(use_tc_tiling_on_sc=False),
)
def _gather_rows(ids_hbm, table_hbm, out_hbm, idx_v, *bufs_and_sems):
    rows = bufs_and_sems[:NBUF]
    sg = bufs_and_sems[NBUF : 2 * NBUF]
    sw = bufs_and_sems[2 * NBUF : 3 * NBUF]

    wid = lax.axis_index("s") * NUM_CORES + lax.axis_index("c")
    base = wid * PER_W

    pltpu.sync_copy(ids_hbm.at[pl.ds(base, PER_W)], idx_v)

    def start_gather(j, b):
        pltpu.async_copy(
            table_hbm.at[idx_v.at[pl.ds(j * CHUNK, CHUNK)]], rows[b], sg[b]
        )

    def wait_gather(j, b):
        pltpu.make_async_copy(
            table_hbm.at[idx_v.at[pl.ds(j * CHUNK, CHUNK)]], rows[b], sg[b]
        ).wait()

    def start_write(j, b):
        pltpu.async_copy(
            rows[b], out_hbm.at[pl.ds(base + j * CHUNK, CHUNK), 0], sw[b]
        )

    def wait_write(j, b):
        pltpu.make_async_copy(
            rows[b], out_hbm.at[pl.ds(base + j * CHUNK, CHUNK), 0], sw[b]
        ).wait()

    for b in range(NBUF):
        start_gather(b, b)

    def outer(o, carry):
        for b in range(NBUF):
            j = o * NBUF + b
            wait_gather(j, b)
            start_write(j, b)
            wait_write(j, b)
            start_gather(j + NBUF, b)
        return carry

    lax.fori_loop(0, OUTER - 1, outer, 0)

    for b in range(NBUF):
        j = (OUTER - 1) * NBUF + b
        wait_gather(j, b)
        start_write(j, b)
    for b in range(NBUF):
        j = (OUTER - 1) * NBUF + b
        wait_write(j, b)


def _select_transpose_body(pairs_ref, out_ref):
    sel = pairs_ref[0][:, :D]
    out_ref[0] = jnp.transpose(sel, (1, 0))


_select_transpose = pl.pallas_call(
    _select_transpose_body,
    grid=(SEQ,),
    in_specs=[
        pl.BlockSpec((1, B_ROWS, PAIR), lambda t: (t, 0, 0)),
    ],
    out_specs=pl.BlockSpec((1, D, B_ROWS), lambda t: (t, 0, 0)),
    out_shape=jax.ShapeDtypeStruct((SEQ, D, B_ROWS), jnp.float32),
)


def kernel(ids, emb_weight):
    ids_t = jnp.transpose(ids).astype(jnp.int32)
    tnat = jnp.transpose(emb_weight)
    table128 = _prep_table(tnat)
    table2 = table128.reshape(2 * VOCAB, D)
    rows = _gather_rows((ids_t * 2).reshape(-1), table2)
    planes = rows.reshape(SEQ, B_ROWS, PAIR)
    out_t = _select_transpose(planes)
    return out_t.transpose(2, 0, 1)

# --- scband reference (transcript-rebuilt; emitter-appended) ---
"""Pipeline reference for scband-token-embedding-68023692034182 (READ-ONLY COPY).

The authoritative reference and input builder live on the scoring server;
editing this copy changes nothing except your own understanding.
"""

import jax, jax.numpy as jnp
import numpy as np

VOCAB = 1000000
D_MODEL = 64

def setup_inputs(seed: int = 0) -> dict:
    key = jax.random.key(seed)
    k_ids, k_emb = jax.random.split(key)
    ids = jax.random.randint(k_ids, (4096, 200), 0, VOCAB, dtype=jnp.int64 if jax.config.jax_enable_x64 else jnp.int32)
    emb_weight = jax.random.normal(k_emb, (VOCAB, D_MODEL), dtype=jnp.float32)
    return {"ids": ids, "emb_weight": emb_weight}

def reference(ids, emb_weight):
    # nn.Embedding forward: gather rows of the table by token id
    return jnp.take(emb_weight, ids, axis=0)

if __name__ == "__main__":
    import jax
    _d = setup_inputs()
    print(jax.jit(kernel)(*tuple(_d.values())))

</pallas_src>

<mosaic_0001>
#map = affine_map<(d0, d1) -> (0)>
#map1 = affine_map<(d0, d1) -> (0, 0)>
#map2 = affine_map<(d0, d1) -> (0, 0, 0)>
module attributes {stable_mosaic.version = 14 : i64} {
  func.func @_gather_rows(%arg0: i32, %arg1: i32, %arg2: memref<819200xi32, #tpu.memory_space<hbm>>, %arg3: memref<2000000x64xf32, #tpu.memory_space<hbm>>, %arg4: memref<819200x2x64xf32, #tpu.memory_space<hbm>>, %arg5: memref<25600xi32, #tpu.memory_space<vmem>>, %arg6: memref<256x64xf32, #tpu.memory_space<vmem>>, %arg7: memref<256x64xf32, #tpu.memory_space<vmem>>, %arg8: memref<256x64xf32, #tpu.memory_space<vmem>>, %arg9: memref<256x64xf32, #tpu.memory_space<vmem>>, %arg10: memref<!tpu.dma_semaphore, #tpu.memory_space<semaphore_mem>>, %arg11: memref<!tpu.dma_semaphore, #tpu.memory_space<semaphore_mem>>, %arg12: memref<!tpu.dma_semaphore, #tpu.memory_space<semaphore_mem>>, %arg13: memref<!tpu.dma_semaphore, #tpu.memory_space<semaphore_mem>>, %arg14: memref<!tpu.dma_semaphore, #tpu.memory_space<semaphore_mem>>, %arg15: memref<!tpu.dma_semaphore, #tpu.memory_space<semaphore_mem>>, %arg16: memref<!tpu.dma_semaphore, #tpu.memory_space<semaphore_mem>>, %arg17: memref<!tpu.dma_semaphore, #tpu.memory_space<semaphore_mem>>) attributes {dimension_semantics = [#tpu.dimension_semantics<core_parallel>, #tpu.dimension_semantics<subcore_parallel>], iteration_bounds = array<i64: 2, 16>, scalar_prefetch = 0 : i64, scratch_operands = 13 : i64, tpu.core_type = #tpu.core_type<sc_vector_subcore>, window_params = [{transform_indices = #map}, {transform_indices = #map1}, {transform_indices = #map2}]} {
    %mul3A = arith.constant 2 : i32
    %mul3A_0 = arith.muli %arg1, %mul3A : i32
    %add3A = arith.addi %mul3A_0, %arg0 : i32
    %mul3A_1 = arith.constant 25600 : i32
    %mul3A_2 = arith.muli %add3A, %mul3A_1 : i32
    "tpu.region"() ({
      %run_scoped3A = tpu.sem_alloc : memref<!tpu.dma_semaphore, #tpu.memory_space<semaphore_mem>>
      %dma_start3A_118 = tpu.memref_slice %arg2[%mul3A_2] : memref<819200xi32, #tpu.memory_space<hbm>> -> memref<25600xi32, #tpu.memory_space<hbm>>
      %dma_start3A_119 = tpu.memref_slice %arg2[%mul3A_2] : memref<819200xi32, #tpu.memory_space<hbm>> -> memref<25600xi32, #tpu.memory_space<hbm>>
      tpu.enqueue_dma source(%dma_start3A_119 : memref<25600xi32, #tpu.memory_space<hbm>>) target(%arg5 : memref<25600xi32, #tpu.memory_space<vmem>>) target_semaphore(%run_scoped3A : memref<!tpu.dma_semaphore, #tpu.memory_space<semaphore_mem>>)
      %dma_wait3A_120 = tpu.memref_slice %arg2[%mul3A_2] : memref<819200xi32, #tpu.memory_space<hbm>> -> memref<25600xi32, #tpu.memory_space<hbm>>
      %dma_wait3A_121 = tpu.memref_slice %arg2[%mul3A_2] : memref<819200xi32, #tpu.memory_space<hbm>> -> memref<25600xi32, #tpu.memory_space<hbm>>
      tpu.wait_dma2 semaphore(%run_scoped3A : memref<!tpu.dma_semaphore, #tpu.memory_space<semaphore_mem>>) src(%dma_wait3A_121 : memref<25600xi32, #tpu.memory_space<hbm>>) dst(%arg5 : memref<25600xi32, #tpu.memory_space<vmem>>)
      tpu.yield
    }) : () -> ()
    %dma_start3A = arith.constant 0 : i32
    %dma_start3A_3 = tpu.memref_slice %arg5[%dma_start3A] : memref<25600xi32, #tpu.memory_space<vmem>> -> memref<256xi32, #tpu.memory_space<vmem>>
    %dma_start3A_4 = arith.constant 0 : i32
    %dma_start3A_5 = arith.constant 0 : i32
    %dma_start3A_6 = tpu.memref_slice %arg3[%dma_start3A_4, %dma_start3A_5] : memref<2000000x64xf32, #tpu.memory_space<hbm>> -> memref<2000000x64xf32, #tpu.memory_space<hbm>>
    tpu.enqueue_indirect_dma source(%dma_start3A_6 : memref<2000000x64xf32, #tpu.memory_space<hbm>>) target(%arg6 : memref<256x64xf32, #tpu.memory_space<vmem>>) offsets(%dma_start3A_3 : memref<256xi32, #tpu.memory_space<vmem>>) semaphore(%arg10 : memref<!tpu.dma_semaphore, #tpu.memory_space<semaphore_mem>>)
    %dma_start3A_7 = arith.constant 256 : i32
    %dma_start3A_8 = tpu.memref_slice %arg5[%dma_start3A_7] : memref<25600xi32, #tpu.memory_space<vmem>> -> memref<256xi32, #tpu.memory_space<vmem>>
    %dma_start3A_9 = arith.constant 0 : i32
    %dma_start3A_10 = arith.constant 0 : i32
    %dma_start3A_11 = tpu.memref_slice %arg3[%dma_start3A_9, %dma_start3A_10] : memref<2000000x64xf32, #tpu.memory_space<hbm>> -> memref<2000000x64xf32, #tpu.memory_space<hbm>>
    tpu.enqueue_indirect_dma source(%dma_start3A_11 : memref<2000000x64xf32, #tpu.memory_space<hbm>>) target(%arg7 : memref<256x64xf32, #tpu.memory_space<vmem>>) offsets(%dma_start3A_8 : memref<256xi32, #tpu.memory_space<vmem>>) semaphore(%arg11 : memref<!tpu.dma_semaphore, #tpu.memory_space<semaphore_mem>>)
    %dma_start3A_12 = arith.constant 512 : i32
    %dma_start3A_13 = tpu.memref_slice %arg5[%dma_start3A_12] : memref<25600xi32, #tpu.memory_space<vmem>> -> memref<256xi32, #tpu.memory_space<vmem>>
    %dma_start3A_14 = arith.constant 0 : i32
    %dma_start3A_15 = arith.constant 0 : i32
    %dma_start3A_16 = tpu.memref_slice %arg3[%dma_start3A_14, %dma_start3A_15] : memref<2000000x64xf32, #tpu.memory_space<hbm>> -> memref<2000000x64xf32, #tpu.memory_space<hbm>>
    tpu.enqueue_indirect_dma source(%dma_start3A_16 : memref<2000000x64xf32, #tpu.memory_space<hbm>>) target(%arg8 : memref<256x64xf32, #tpu.memory_space<vmem>>) offsets(%dma_start3A_13 : memref<256xi32, #tpu.memory_space<vmem>>) semaphore(%arg12 : memref<!tpu.dma_semaphore, #tpu.memory_space<semaphore_mem>>)
    %dma_start3A_17 = arith.constant 768 : i32
    %dma_start3A_18 = tpu.memref_slice %arg5[%dma_start3A_17] : memref<25600xi32, #tpu.memory_space<vmem>> -> memref<256xi32, #tpu.memory_space<vmem>>
    %dma_start3A_19 = arith.constant 0 : i32
    %dma_start3A_20 = arith.constant 0 : i32
    %dma_start3A_21 = tpu.memref_slice %arg3[%dma_start3A_19, %dma_start3A_20] : memref<2000000x64xf32, #tpu.memory_space<hbm>> -> memref<2000000x64xf32, #tpu.memory_space<hbm>>
    tpu.enqueue_indirect_dma source(%dma_start3A_21 : memref<2000000x64xf32, #tpu.memory_space<hbm>>) target(%arg9 : memref<256x64xf32, #tpu.memory_space<vmem>>) offsets(%dma_start3A_18 : memref<256xi32, #tpu.memory_space<vmem>>) semaphore(%arg13 : memref<!tpu.dma_semaphore, #tpu.memory_space<semaphore_mem>>)
    %scan3A = arith.constant 0 : i32
    %scan3A_22 = arith.constant 0 : i32
    %scan3A_23 = arith.constant 24 : i32
    %scan3A_24 = arith.addi %scan3A_22, %scan3A_23 : i32
    %scan3A_25 = arith.constant 1 : i32
    scf.for %scan3A_118 = %scan3A_22 to %scan3A_24 step %scan3A_25  : i32 {
      %mul3A_119 = arith.constant 4 : i32
      %mul3A_120 = arith.muli %scan3A_118, %mul3A_119 : i32
      %add3A_121 = arith.constant 0 : i32
      %add3A_122 = arith.addi %mul3A_120, %add3A_121 : i32
      %mul3A_123 = arith.constant 256 : i32
      %mul3A_124 = arith.muli %add3A_122, %mul3A_123 : i32
      %dma_wait3A_125 = tpu.memref_slice %arg5[%mul3A_124] : memref<25600xi32, #tpu.memory_space<vmem>> -> memref<256xi32, #tpu.memory_space<vmem>>
      %dma_wait3A_126 = arith.constant 0 : i32
      %dma_wait3A_127 = arith.constant 0 : i32
      %dma_wait3A_128 = tpu.memref_slice %arg3[%dma_wait3A_126, %dma_wait3A_127] : memref<2000000x64xf32, #tpu.memory_space<hbm>> -> memref<2000000x64xf32, #tpu.memory_space<hbm>>
      tpu.wait_indirect_dma semaphore(%arg10 : memref<!tpu.dma_semaphore, #tpu.memory_space<semaphore_mem>>) src(%dma_wait3A_128 : memref<2000000x64xf32, #tpu.memory_space<hbm>>) dst(%arg6 : memref<256x64xf32, #tpu.memory_space<vmem>>)
      %mul3A_129 = arith.constant 256 : i32
      %mul3A_130 = arith.muli %add3A_122, %mul3A_129 : i32
      %add3A_131 = arith.addi %mul3A_2, %mul3A_130 : i32
      %dma_start3A_132 = arith.constant 0 : i32
      %dma_start3A_133 = arith.constant 0 : i32
      %dma_start3A_134 = tpu.memref_slice %arg4[%add3A_131, %dma_start3A_132, %dma_start3A_133] : memref<819200x2x64xf32, #tpu.memory_space<hbm>> -> memref<256x1x64xf32, #tpu.memory_space<hbm>>
      %dma_start3A_135 = tpu.memref_squeeze %dma_start3A_134 : memref<256x1x64xf32, #tpu.memory_space<hbm>> -> memref<256x64xf32, #tpu.memory_space<hbm>>
      %dma_start3A_136 = arith.constant 0 : i32
      %dma_start3A_137 = tpu.memref_slice %arg4[%add3A_131, %dma_start3A_132, %dma_start3A_136] : memref<819200x2x64xf32, #tpu.memory_space<hbm>> -> memref<256x1x64xf32, #tpu.memory_space<hbm>>
      %dma_start3A_138 = tpu.memref_squeeze %dma_start3A_137 : memref<256x1x64xf32, #tpu.memory_space<hbm>> -> memref<256x64xf32, #tpu.memory_space<hbm>>
      tpu.enqueue_dma source(%arg6 : memref<256x64xf32, #tpu.memory_space<vmem>>) target(%dma_start3A_138 : memref<256x64xf32, #tpu.memory_space<hbm>>) target_semaphore(%arg14 : memref<!tpu.dma_semaphore, #tpu.memory_space<semaphore_mem>>)
      %mul3A_139 = arith.constant 256 : i32
      %mul3A_140 = arith.muli %add3A_122, %mul3A_139 : i32
      %add3A_141 = arith.addi %mul3A_2, %mul3A_140 : i32
      %dma_wait3A_142 = arith.constant 0 : i32
      %dma_wait3A_143 = arith.constant 0 : i32
      %dma_wait3A_144 = tpu.memref_slice %arg4[%add3A_141, %dma_wait3A_142, %dma_wait3A_143] : memref<819200x2x64xf32, #tpu.memory_space<hbm>> -> memref<256x1x64xf32, #tpu.memory_space<hbm>>
      %dma_wait3A_145 = tpu.memref_squeeze %dma_wait3A_144 : memref<256x1x64xf32, #tpu.memory_space<hbm>> -> memref<256x64xf32, #tpu.memory_space<hbm>>
      %dma_wait3A_146 = arith.constant 0 : i32
      %dma_wait3A_147 = tpu.memref_slice %arg4[%add3A_141, %dma_wait3A_142, %dma_wait3A_146] : memref<819200x2x64xf32, #tpu.memory_space<hbm>> -> memref<256x1x64xf32, #tpu.memory_space<hbm>>
      %dma_wait3A_148 = tpu.memref_squeeze %dma_wait3A_147 : memref<256x1x64xf32, #tpu.memory_space<hbm>> -> memref<256x64xf32, #tpu.memory_space<hbm>>
      tpu.wait_dma2 semaphore(%arg14 : memref<!tpu.dma_semaphore, #tpu.memory_space<semaphore_mem>>) src(%arg6 : memref<256x64xf32, #tpu.memory_space<vmem>>) dst(%dma_wait3A_148 : memref<256x64xf32, #tpu.memory_space<hbm>>)
      %add3A_149 = arith.constant 4 : i32
      %add3A_150 = arith.addi %add3A_122, %add3A_149 : i32
      %mul3A_151 = arith.constant 256 : i32
      %mul3A_152 = arith.muli %add3A_150, %mul3A_151 : i32
      %dma_start3A_153 = tpu.memref_slice %arg5[%mul3A_152] : memref<25600xi32, #tpu.memory_space<vmem>> -> memref<256xi32, #tpu.memory_space<vmem>>
      %dma_start3A_154 = arith.constant 0 : i32
      %dma_start3A_155 = arith.constant 0 : i32
      %dma_start3A_156 = tpu.memref_slice %arg3[%dma_start3A_154, %dma_start3A_155] : memref<2000000x64xf32, #tpu.memory_space<hbm>> -> memref<2000000x64xf32, #tpu.memory_space<hbm>>
      tpu.enqueue_indirect_dma source(%dma_start3A_156 : memref<2000000x64xf32, #tpu.memory_space<hbm>>) target(%arg6 : memref<256x64xf32, #tpu.memory_space<vmem>>) offsets(%dma_start3A_153 : memref<256xi32, #tpu.memory_space<vmem>>) semaphore(%arg10 : memref<!tpu.dma_semaphore, #tpu.memory_space<semaphore_mem>>)
      %mul3A_157 = arith.constant 4 : i32
      %mul3A_158 = arith.muli %scan3A_118, %mul3A_157 : i32
      %add3A_159 = arith.constant 1 : i32
      %add3A_160 = arith.addi %mul3A_158, %add3A_159 : i32
      %mul3A_161 = arith.constant 256 : i32
      %mul3A_162 = arith.muli %add3A_160, %mul3A_161 : i32
      %dma_wait3A_163 = tpu.memref_slice %arg5[%mul3A_162] : memref<25600xi32, #tpu.memory_space<vmem>> -> memref<256xi32, #tpu.memory_space<vmem>>
      %dma_wait3A_164 = arith.constant 0 : i32
      %dma_wait3A_165 = arith.constant 0 : i32
      %dma_wait3A_166 = tpu.memref_slice %arg3[%dma_wait3A_164, %dma_wait3A_165] : memref<2000000x64xf32, #tpu.memory_space<hbm>> -> memref<2000000x64xf32, #tpu.memory_space<hbm>>
      tpu.wait_indirect_dma semaphore(%arg11 : memref<!tpu.dma_semaphore, #tpu.memory_space<semaphore_mem>>) src(%dma_wait3A_166 : memref<2000000x64xf32, #tpu.memory_space<hbm>>) dst(%arg7 : memref<256x64xf32, #tpu.memory_space<vmem>>)
      %mul3A_167 = arith.constant 256 : i32
      %mul3A_168 = arith.muli %add3A_160, %mul3A_167 : i32
      %add3A_169 = arith.addi %mul3A_2, %mul3A_168 : i32
      %dma_start3A_170 = arith.constant 0 : i32
      %dma_start3A_171 = arith.constant 0 : i32
      %dma_start3A_172 = tpu.memref_slice %arg4[%add3A_169, %dma_start3A_170, %dma_start3A_171] : memref<819200x2x64xf32, #tpu.memory_space<hbm>> -> memref<256x1x64xf32, #tpu.memory_space<hbm>>
      %dma_start3A_173 = tpu.memref_squeeze %dma_start3A_172 : memref<256x1x64xf32, #tpu.memory_space<hbm>> -> memref<256x64xf32, #tpu.memory_space<hbm>>
      %dma_start3A_174 = arith.constant 0 : i32
      %dma_start3A_175 = tpu.memref_slice %arg4[%add3A_169, %dma_start3A_170, %dma_start3A_174] : memref<819200x2x64xf32, #tpu.memory_space<hbm>> -> memref<256x1x64xf32, #tpu.memory_space<hbm>>
      %dma_start3A_176 = tpu.memref_squeeze %dma_start3A_175 : memref<256x1x64xf32, #tpu.memory_space<hbm>> -> memref<256x64xf32, #tpu.memory_space<hbm>>
      tpu.enqueue_dma source(%arg7 : memref<256x64xf32, #tpu.memory_space<vmem>>) target(%dma_start3A_176 : memref<256x64xf32, #tpu.memory_space<hbm>>) target_semaphore(%arg15 : memref<!tpu.dma_semaphore, #tpu.memory_space<semaphore_mem>>)
      %mul3A_177 = arith.constant 256 : i32
      %mul3A_178 = arith.muli %add3A_160, %mul3A_177 : i32
      %add3A_179 = arith.addi %mul3A_2, %mul3A_178 : i32
      %dma_wait3A_180 = arith.constant 0 : i32
      %dma_wait3A_181 = arith.constant 0 : i32
      %dma_wait3A_182 = tpu.memref_slice %arg4[%add3A_179, %dma_wait3A_180, %dma_wait3A_181] : memref<819200x2x64xf32, #tpu.memory_space<hbm>> -> memref<256x1x64xf32, #tpu.memory_space<hbm>>
      %dma_wait3A_183 = tpu.memref_squeeze %dma_wait3A_182 : memref<256x1x64xf32, #tpu.memory_space<hbm>> -> memref<256x64xf32, #tpu.memory_space<hbm>>
      %dma_wait3A_184 = arith.constant 0 : i32
      %dma_wait3A_185 = tpu.memref_slice %arg4[%add3A_179, %dma_wait3A_180, %dma_wait3A_184] : memref<819200x2x64xf32, #tpu.memory_space<hbm>> -> memref<256x1x64xf32, #tpu.memory_space<hbm>>
      %dma_wait3A_186 = tpu.memref_squeeze %dma_wait3A_185 : memref<256x1x64xf32, #tpu.memory_space<hbm>> -> memref<256x64xf32, #tpu.memory_space<hbm>>
      tpu.wait_dma2 semaphore(%arg15 : memref<!tpu.dma_semaphore, #tpu.memory_space<semaphore_mem>>) src(%arg7 : memref<256x64xf32, #tpu.memory_space<vmem>>) dst(%dma_wait3A_186 : memref<256x64xf32, #tpu.memory_space<hbm>>)
      %add3A_187 = arith.constant 4 : i32
      %add3A_188 = arith.addi %add3A_160, %add3A_187 : i32
      %mul3A_189 = arith.constant 256 : i32
      %mul3A_190 = arith.muli %add3A_188, %mul3A_189 : i32
      %dma_start3A_191 = tpu.memref_slice %arg5[%mul3A_190] : memref<25600xi32, #tpu.memory_space<vmem>> -> memref<256xi32, #tpu.memory_space<vmem>>
      %dma_start3A_192 = arith.constant 0 : i32
      %dma_start3A_193 = arith.constant 0 : i32
      %dma_start3A_194 = tpu.memref_slice %arg3[%dma_start3A_192, %dma_start3A_193] : memref<2000000x64xf32, #tpu.memory_space<hbm>> -> memref<2000000x64xf32, #tpu.memory_space<hbm>>
      tpu.enqueue_indirect_dma source(%dma_start3A_194 : memref<2000000x64xf32, #tpu.memory_space<hbm>>) target(%arg7 : memref<256x64xf32, #tpu.memory_space<vmem>>) offsets(%dma_start3A_191 : memref<256xi32, #tpu.memory_space<vmem>>) semaphore(%arg11 : memref<!tpu.dma_semaphore, #tpu.memory_space<semaphore_mem>>)
      %mul3A_195 = arith.constant 4 : i32
      %mul3A_196 = arith.muli %scan3A_118, %mul3A_195 : i32
      %add3A_197 = arith.constant 2 : i32
      %add3A_198 = arith.addi %mul3A_196, %add3A_197 : i32
      %mul3A_199 = arith.constant 256 : i32
      %mul3A_200 = arith.muli %add3A_198, %mul3A_199 : i32
      %dma_wait3A_201 = tpu.memref_slice %arg5[%mul3A_200] : memref<25600xi32, #tpu.memory_space<vmem>> -> memref<256xi32, #tpu.memory_space<vmem>>
      %dma_wait3A_202 = arith.constant 0 : i32
      %dma_wait3A_203 = arith.constant 0 : i32
      %dma_wait3A_204 = tpu.memref_slice %arg3[%dma_wait3A_202, %dma_wait3A_203] : memref<2000000x64xf32, #tpu.memory_space<hbm>> -> memref<2000000x64xf32, #tpu.memory_space<hbm>>
      tpu.wait_indirect_dma semaphore(%arg12 : memref<!tpu.dma_semaphore, #tpu.memory_space<semaphore_mem>>) src(%dma_wait3A_204 : memref<2000000x64xf32, #tpu.memory_space<hbm>>) dst(%arg8 : memref<256x64xf32, #tpu.memory_space<vmem>>)
      %mul3A_205 = arith.constant 256 : i32
      %mul3A_206 = arith.muli %add3A_198, %mul3A_205 : i32
      %add3A_207 = arith.addi %mul3A_2, %mul3A_206 : i32
      %dma_start3A_208 = arith.constant 0 : i32
      %dma_start3A_209 = arith.constant 0 : i32
      %dma_start3A_210 = tpu.memref_slice %arg4[%add3A_207, %dma_start3A_208, %dma_start3A_209] : memref<819200x2x64xf32, #tpu.memory_space<hbm>> -> memref<256x1x64xf32, #tpu.memory_space<hbm>>
      %dma_start3A_211 = tpu.memref_squeeze %dma_start3A_210 : memref<256x1x64xf32, #tpu.memory_space<hbm>> -> memref<256x64xf32, #tpu.memory_space<hbm>>
      %dma_start3A_212 = arith.constant 0 : i32
      %dma_start3A_213 = tpu.memref_slice %arg4[%add3A_207, %dma_start3A_208, %dma_start3A_212] : memref<819200x2x64xf32, #tpu.memory_space<hbm>> -> memref<256x1x64xf32, #tpu.memory_space<hbm>>
      %dma_start3A_214 = tpu.memref_squeeze %dma_start3A_213 : memref<256x1x64xf32, #tpu.memory_space<hbm>> -> memref<256x64xf32, #tpu.memory_space<hbm>>
      tpu.enqueue_dma source(%arg8 : memref<256x64xf32, #tpu.memory_space<vmem>>) target(%dma_start3A_214 : memref<256x64xf32, #tpu.memory_space<hbm>>) target_semaphore(%arg16 : memref<!tpu.dma_semaphore, #tpu.memory_space<semaphore_mem>>)
      %mul3A_215 = arith.constant 256 : i32
      %mul3A_216 = arith.muli %add3A_198, %mul3A_215 : i32
      %add3A_217 = arith.addi %mul3A_2, %mul3A_216 : i32
      %dma_wait3A_218 = arith.constant 0 : i32
      %dma_wait3A_219 = arith.constant 0 : i32
      %dma_wait3A_220 = tpu.memref_slice %arg4[%add3A_217, %dma_wait3A_218, %dma_wait3A_219] : memref<819200x2x64xf32, #tpu.memory_space<hbm>> -> memref<256x1x64xf32, #tpu.memory_space<hbm>>
      %dma_wait3A_221 = tpu.memref_squeeze %dma_wait3A_220 : memref<256x1x64xf32, #tpu.memory_space<hbm>> -> memref<256x64xf32, #tpu.memory_space<hbm>>
      %dma_wait3A_222 = arith.constant 0 : i32
      %dma_wait3A_223 = tpu.memref_slice %arg4[%add3A_217, %dma_wait3A_218, %dma_wait3A_222] : memref<819200x2x64xf32, #tpu.memory_space<hbm>> -> memref<256x1x64xf32, #tpu.memory_space<hbm>>
      %dma_wait3A_224 = tpu.memref_squeeze %dma_wait3A_223 : memref<256x1x64xf32, #tpu.memory_space<hbm>> -> memref<256x64xf32, #tpu.memory_space<hbm>>
      tpu.wait_dma2 semaphore(%arg16 : memref<!tpu.dma_semaphore, #tpu.memory_space<semaphore_mem>>) src(%arg8 : memref<256x64xf32, #tpu.memory_space<vmem>>) dst(%dma_wait3A_224 : memref<256x64xf32, #tpu.memory_space<hbm>>)
      %add3A_225 = arith.constant 4 : i32
      %add3A_226 = arith.addi %add3A_198, %add3A_225 : i32
      %mul3A_227 = arith.constant 256 : i32
      %mul3A_228 = arith.muli %add3A_226, %mul3A_227 : i32
      %dma_start3A_229 = tpu.memref_slice %arg5[%mul3A_228] : memref<25600xi32, #tpu.memory_space<vmem>> -> memref<256xi32, #tpu.memory_space<vmem>>
      %dma_start3A_230 = arith.constant 0 : i32
      %dma_start3A_231 = arith.constant 0 : i32
      %dma_start3A_232 = tpu.memref_slice %arg3[%dma_start3A_230, %dma_start3A_231] : memref<2000000x64xf32, #tpu.memory_space<hbm>> -> memref<2000000x64xf32, #tpu.memory_space<hbm>>
      tpu.enqueue_indirect_dma source(%dma_start3A_232 : memref<2000000x64xf32, #tpu.memory_space<hbm>>) target(%arg8 : memref<256x64xf32, #tpu.memory_space<vmem>>) offsets(%dma_start3A_229 : memref<256xi32, #tpu.memory_space<vmem>>) semaphore(%arg12 : memref<!tpu.dma_semaphore, #tpu.memory_space<semaphore_mem>>)
      %mul3A_233 = arith.constant 4 : i32
      %mul3A_234 = arith.muli %scan3A_118, %mul3A_233 : i32
      %add3A_235 = arith.constant 3 : i32
      %add3A_236 = arith.addi %mul3A_234, %add3A_235 : i32
      %mul3A_237 = arith.constant 256 : i32
      %mul3A_238 = arith.muli %add3A_236, %mul3A_237 : i32
      %dma_wait3A_239 = tpu.memref_slice %arg5[%mul3A_238] : memref<25600xi32, #tpu.memory_space<vmem>> -> memref<256xi32, #tpu.memory_space<vmem>>
      %dma_wait3A_240 = arith.constant 0 : i32
      %dma_wait3A_241 = arith.constant 0 : i32
      %dma_wait3A_242 = tpu.memref_slice %arg3[%dma_wait3A_240, %dma_wait3A_241] : memref<2000000x64xf32, #tpu.memory_space<hbm>> -> memref<2000000x64xf32, #tpu.memory_space<hbm>>
      tpu.wait_indirect_dma semaphore(%arg13 : memref<!tpu.dma_semaphore, #tpu.memory_space<semaphore_mem>>) src(%dma_wait3A_242 : memref<2000000x64xf32, #tpu.memory_space<hbm>>) dst(%arg9 : memref<256x64xf32, #tpu.memory_space<vmem>>)
      %mul3A_243 = arith.constant 256 : i32
      %mul3A_244 = arith.muli %add3A_236, %mul3A_243 : i32
      %add3A_245 = arith.addi %mul3A_2, %mul3A_244 : i32
      %dma_start3A_246 = arith.constant 0 : i32
      %dma_start3A_247 = arith.constant 0 : i32
      %dma_start3A_248 = tpu.memref_slice %arg4[%add3A_245, %dma_start3A_246, %dma_start3A_247] : memref<819200x2x64xf32, #tpu.memory_space<hbm>> -> memref<256x1x64xf32, #tpu.memory_space<hbm>>
      %dma_start3A_249 = tpu.memref_squeeze %dma_start3A_248 : memref<256x1x64xf32, #tpu.memory_space<hbm>> -> memref<256x64xf32, #tpu.memory_space<hbm>>
      %dma_start3A_250 = arith.constant 0 : i32
      %dma_start3A_251 = tpu.memref_slice %arg4[%add3A_245, %dma_start3A_246, %dma_start3A_250] : memref<819200x2x64xf32, #tpu.memory_space<hbm>> -> memref<256x1x64xf32, #tpu.memory_space<hbm>>
      %dma_start3A_252 = tpu.memref_squeeze %dma_start3A_251 : memref<256x1x64xf32, #tpu.memory_space<hbm>> -> memref<256x64xf32, #tpu.memory_space<hbm>>
      tpu.enqueue_dma source(%arg9 : memref<256x64xf32, #tpu.memory_space<vmem>>) target(%dma_start3A_252 : memref<256x64xf32, #tpu.memory_space<hbm>>) target_semaphore(%arg17 : memref<!tpu.dma_semaphore, #tpu.memory_space<semaphore_mem>>)
      %mul3A_253 = arith.constant 256 : i32
      %mul3A_254 = arith.muli %add3A_236, %mul3A_253 : i32
      %add3A_255 = arith.addi %mul3A_2, %mul3A_254 : i32
      %dma_wait3A_256 = arith.constant 0 : i32
      %dma_wait3A_257 = arith.constant 0 : i32
      %dma_wait3A_258 = tpu.memref_slice %arg4[%add3A_255, %dma_wait3A_256, %dma_wait3A_257] : memref<819200x2x64xf32, #tpu.memory_space<hbm>> -> memref<256x1x64xf32, #tpu.memory_space<hbm>>
      %dma_wait3A_259 = tpu.memref_squeeze %dma_wait3A_258 : memref<256x1x64xf32, #tpu.memory_space<hbm>> -> memref<256x64xf32, #tpu.memory_space<hbm>>
      %dma_wait3A_260 = arith.constant 0 : i32
      %dma_wait3A_261 = tpu.memref_slice %arg4[%add3A_255, %dma_wait3A_256, %dma_wait3A_260] : memref<819200x2x64xf32, #tpu.memory_space<hbm>> -> memref<256x1x64xf32, #tpu.memory_space<hbm>>
      %dma_wait3A_262 = tpu.memref_squeeze %dma_wait3A_261 : memref<256x1x64xf32, #tpu.memory_space<hbm>> -> memref<256x64xf32, #tpu.memory_space<hbm>>
      tpu.wait_dma2 semaphore(%arg17 : memref<!tpu.dma_semaphore, #tpu.memory_space<semaphore_mem>>) src(%arg9 : memref<256x64xf32, #tpu.memory_space<vmem>>) dst(%dma_wait3A_262 : memref<256x64xf32, #tpu.memory_space<hbm>>)
      %add3A_263 = arith.constant 4 : i32
      %add3A_264 = arith.addi %add3A_236, %add3A_263 : i32
      %mul3A_265 = arith.constant 256 : i32
      %mul3A_266 = arith.muli %add3A_264, %mul3A_265 : i32
      %dma_start3A_267 = tpu.memref_slice %arg5[%mul3A_266] : memref<25600xi32, #tpu.memory_space<vmem>> -> memref<256xi32, #tpu.memory_space<vmem>>
      %dma_start3A_268 = arith.constant 0 : i32
      %dma_start3A_269 = arith.constant 0 : i32
      %dma_start3A_270 = tpu.memref_slice %arg3[%dma_start3A_268, %dma_start3A_269] : memref<2000000x64xf32, #tpu.memory_space<hbm>> -> memref<2000000x64xf32, #tpu.memory_space<hbm>>
      tpu.enqueue_indirect_dma source(%dma_start3A_270 : memref<2000000x64xf32, #tpu.memory_space<hbm>>) target(%arg9 : memref<256x64xf32, #tpu.memory_space<vmem>>) offsets(%dma_start3A_267 : memref<256xi32, #tpu.memory_space<vmem>>) semaphore(%arg13 : memref<!tpu.dma_semaphore, #tpu.memory_space<semaphore_mem>>)
    }
    %scan3A_26 = arith.constant 24 : i32
    %dma_wait3A = arith.constant 24576 : i32
    %dma_wait3A_27 = tpu.memref_slice %arg5[%dma_wait3A] : memref<25600xi32, #tpu.memory_space<vmem>> -> memref<256xi32, #tpu.memory_space<vmem>>
    %dma_wait3A_28 = arith.constant 0 : i32
    %dma_wait3A_29 = arith.constant 0 : i32
    %dma_wait3A_30 = tpu.memref_slice %arg3[%dma_wait3A_28, %dma_wait3A_29] : memref<2000000x64xf32, #tpu.memory_space<hbm>> -> memref<2000000x64xf32, #tpu.memory_space<hbm>>
    tpu.wait_indirect_dma semaphore(%arg10 : memref<!tpu.dma_semaphore, #tpu.memory_space<semaphore_mem>>) src(%dma_wait3A_30 : memref<2000000x64xf32, #tpu.memory_space<hbm>>) dst(%arg6 : memref<256x64xf32, #tpu.memory_space<vmem>>)
    %add3A_31 = arith.constant 24576 : i32
    %add3A_32 = arith.addi %mul3A_2, %add3A_31 : i32
    %dma_start3A_33 = arith.constant 0 : i32
    %dma_start3A_34 = arith.constant 0 : i32
    %dma_start3A_35 = tpu.memref_slice %arg4[%add3A_32, %dma_start3A_33, %dma_start3A_34] : memref<819200x2x64xf32, #tpu.memory_space<hbm>> -> memref<256x1x64xf32, #tpu.memory_space<hbm>>
    %dma_start3A_36 = tpu.memref_squeeze %dma_start3A_35 : memref<256x1x64xf32, #tpu.memory_space<hbm>> -> memref<256x64xf32, #tpu.memory_space<hbm>>
    %dma_start3A_37 = arith.constant 0 : i32
    %dma_start3A_38 = tpu.memref_slice %arg4[%add3A_32, %dma_start3A_33, %dma_start3A_37] : memref<819200x2x64xf32, #tpu.memory_space<hbm>> -> memref<256x1x64xf32, #tpu.memory_space<hbm>>
    %dma_start3A_39 = tpu.memref_squeeze %dma_start3A_38 : memref<256x1x64xf32, #tpu.memory_space<hbm>> -> memref<256x64xf32, #tpu.memory_space<hbm>>
    tpu.enqueue_dma source(%arg6 : memref<256x64xf32, #tpu.memory_space<vmem>>) target(%dma_start3A_39 : memref<256x64xf32, #tpu.memory_space<hbm>>) target_semaphore(%arg14 : memref<!tpu.dma_semaphore, #tpu.memory_space<semaphore_mem>>)
    %dma_wait3A_40 = arith.constant 24832 : i32
    %dma_wait3A_41 = tpu.memref_slice %arg5[%dma_wait3A_40] : memref<25600xi32, #tpu.memory_space<vmem>> -> memref<256xi32, #tpu.memory_space<vmem>>
    %dma_wait3A_42 = arith.constant 0 : i32
    %dma_wait3A_43 = arith.constant 0 : i32
    %dma_wait3A_44 = tpu.memref_slice %arg3[%dma_wait3A_42, %dma_wait3A_43] : memref<2000000x64xf32, #tpu.memory_space<hbm>> -> memref<2000000x64xf32, #tpu.memory_space<hbm>>
    tpu.wait_indirect_dma semaphore(%arg11 : memref<!tpu.dma_semaphore, #tpu.memory_space<semaphore_mem>>) src(%dma_wait3A_44 : memref<2000000x64xf32, #tpu.memory_space<hbm>>) dst(%arg7 : memref<256x64xf32, #tpu.memory_space<vmem>>)
    %add3A_45 = arith.constant 24832 : i32
    %add3A_46 = arith.addi %mul3A_2, %add3A_45 : i32
    %dma_start3A_47 = arith.constant 0 : i32
    %dma_start3A_48 = arith.constant 0 : i32
    %dma_start3A_49 = tpu.memref_slice %arg4[%add3A_46, %dma_start3A_47, %dma_start3A_48] : memref<819200x2x64xf32, #tpu.memory_space<hbm>> -> memref<256x1x64xf32, #tpu.memory_space<hbm>>
    %dma_start3A_50 = tpu.memref_squeeze %dma_start3A_49 : memref<256x1x64xf32, #tpu.memory_space<hbm>> -> memref<256x64xf32, #tpu.memory_space<hbm>>
    %dma_start3A_51 = arith.constant 0 : i32
    %dma_start3A_52 = tpu.memref_slice %arg4[%add3A_46, %dma_start3A_47, %dma_start3A_51] : memref<819200x2x64xf32, #tpu.memory_space<hbm>> -> memref<256x1x64xf32, #tpu.memory_space<hbm>>
    %dma_start3A_53 = tpu.memref_squeeze %dma_start3A_52 : memref<256x1x64xf32, #tpu.memory_space<hbm>> -> memref<256x64xf32, #tpu.memory_space<hbm>>
    tpu.enqueue_dma source(%arg7 : memref<256x64xf32, #tpu.memory_space<vmem>>) target(%dma_start3A_53 : memref<256x64xf32, #tpu.memory_space<hbm>>) target_semaphore(%arg15 : memref<!tpu.dma_semaphore, #tpu.memory_space<semaphore_mem>>)
    %dma_wait3A_54 = arith.constant 25088 : i32
    %dma_wait3A_55 = tpu.memref_slice %arg5[%dma_wait3A_54] : memref<25600xi32, #tpu.memory_space<vmem>> -> memref<256xi32, #tpu.memory_space<vmem>>
    %dma_wait3A_56 = arith.constant 0 : i32
    %dma_wait3A_57 = arith.constant 0 : i32
    %dma_wait3A_58 = tpu.memref_slice %arg3[%dma_wait3A_56, %dma_wait3A_57] : memref<2000000x64xf32, #tpu.memory_space<hbm>> -> memref<2000000x64xf32, #tpu.memory_space<hbm>>
    tpu.wait_indirect_dma semaphore(%arg12 : memref<!tpu.dma_semaphore, #tpu.memory_space<semaphore_mem>>) src(%dma_wait3A_58 : memref<2000000x64xf32, #tpu.memory_space<hbm>>) dst(%arg8 : memref<256x64xf32, #tpu.memory_space<vmem>>)
    %add3A_59 = arith.constant 25088 : i32
    %add3A_60 = arith.addi %mul3A_2, %add3A_59 : i32
    %dma_start3A_61 = arith.constant 0 : i32
    %dma_start3A_62 = arith.constant 0 : i32
    %dma_start3A_63 = tpu.memref_slice %arg4[%add3A_60, %dma_start3A_61, %dma_start3A_62] : memref<819200x2x64xf32, #tpu.memory_space<hbm>> -> memref<256x1x64xf32, #tpu.memory_space<hbm>>
    %dma_start3A_64 = tpu.memref_squeeze %dma_start3A_63 : memref<256x1x64xf32, #tpu.memory_space<hbm>> -> memref<256x64xf32, #tpu.memory_space<hbm>>
    %dma_start3A_65 = arith.constant 0 : i32
    %dma_start3A_66 = tpu.memref_slice %arg4[%add3A_60, %dma_start3A_61, %dma_start3A_65] : memref<819200x2x64xf32, #tpu.memory_space<hbm>> -> memref<256x1x64xf32, #tpu.memory_space<hbm>>
    %dma_start3A_67 = tpu.memref_squeeze %dma_start3A_66 : memref<256x1x64xf32, #tpu.memory_space<hbm>> -> memref<256x64xf32, #tpu.memory_space<hbm>>
    tpu.enqueue_dma source(%arg8 : memref<256x64xf32, #tpu.memory_space<vmem>>) target(%dma_start3A_67 : memref<256x64xf32, #tpu.memory_space<hbm>>) target_semaphore(%arg16 : memref<!tpu.dma_semaphore, #tpu.memory_space<semaphore_mem>>)
    %dma_wait3A_68 = arith.constant 25344 : i32
    %dma_wait3A_69 = tpu.memref_slice %arg5[%dma_wait3A_68] : memref<25600xi32, #tpu.memory_space<vmem>> -> memref<256xi32, #tpu.memory_space<vmem>>
    %dma_wait3A_70 = arith.constant 0 : i32
    %dma_wait3A_71 = arith.constant 0 : i32
    %dma_wait3A_72 = tpu.memref_slice %arg3[%dma_wait3A_70, %dma_wait3A_71] : memref<2000000x64xf32, #tpu.memory_space<hbm>> -> memref<2000000x64xf32, #tpu.memory_space<hbm>>
    tpu.wait_indirect_dma semaphore(%arg13 : memref<!tpu.dma_semaphore, #tpu.memory_space<semaphore_mem>>) src(%dma_wait3A_72 : memref<2000000x64xf32, #tpu.memory_space<hbm>>) dst(%arg9 : memref<256x64xf32, #tpu.memory_space<vmem>>)
    %add3A_73 = arith.constant 25344 : i32
    %add3A_74 = arith.addi %mul3A_2, %add3A_73 : i32
    %dma_start3A_75 = arith.constant 0 : i32
    %dma_start3A_76 = arith.constant 0 : i32
    %dma_start3A_77 = tpu.memref_slice %arg4[%add3A_74, %dma_start3A_75, %dma_start3A_76] : memref<819200x2x64xf32, #tpu.memory_space<hbm>> -> memref<256x1x64xf32, #tpu.memory_space<hbm>>
    %dma_start3A_78 = tpu.memref_squeeze %dma_start3A_77 : memref<256x1x64xf32, #tpu.memory_space<hbm>> -> memref<256x64xf32, #tpu.memory_space<hbm>>
    %dma_start3A_79 = arith.constant 0 : i32
    %dma_start3A_80 = tpu.memref_slice %arg4[%add3A_74, %dma_start3A_75, %dma_start3A_79] : memref<819200x2x64xf32, #tpu.memory_space<hbm>> -> memref<256x1x64xf32, #tpu.memory_space<hbm>>
    %dma_start3A_81 = tpu.memref_squeeze %dma_start3A_80 : memref<256x1x64xf32, #tpu.memory_space<hbm>> -> memref<256x64xf32, #tpu.memory_space<hbm>>
    tpu.enqueue_dma source(%arg9 : memref<256x64xf32, #tpu.memory_space<vmem>>) target(%dma_start3A_81 : memref<256x64xf32, #tpu.memory_space<hbm>>) target_semaphore(%arg17 : memref<!tpu.dma_semaphore, #tpu.memory_space<semaphore_mem>>)
    %add3A_82 = arith.constant 24576 : i32
    %add3A_83 = arith.addi %mul3A_2, %add3A_82 : i32
    %dma_wait3A_84 = arith.constant 0 : i32
    %dma_wait3A_85 = arith.constant 0 : i32
    %dma_wait3A_86 = tpu.memref_slice %arg4[%add3A_83, %dma_wait3A_84, %dma_wait3A_85] : memref<819200x2x64xf32, #tpu.memory_space<hbm>> -> memref<256x1x64xf32, #tpu.memory_space<hbm>>
    %dma_wait3A_87 = tpu.memref_squeeze %dma_wait3A_86 : memref<256x1x64xf32, #tpu.memory_space<hbm>> -> memref<256x64xf32, #tpu.memory_space<hbm>>
    %dma_wait3A_88 = arith.constant 0 : i32
    %dma_wait3A_89 = tpu.memref_slice %arg4[%add3A_83, %dma_wait3A_84, %dma_wait3A_88] : memref<819200x2x64xf32, #tpu.memory_space<hbm>> -> memref<256x1x64xf32, #tpu.memory_space<hbm>>
    %dma_wait3A_90 = tpu.memref_squeeze %dma_wait3A_89 : memref<256x1x64xf32, #tpu.memory_space<hbm>> -> memref<256x64xf32, #tpu.memory_space<hbm>>
    tpu.wait_dma2 semaphore(%arg14 : memref<!tpu.dma_semaphore, #tpu.memory_space<semaphore_mem>>) src(%arg6 : memref<256x64xf32, #tpu.memory_space<vmem>>) dst(%dma_wait3A_90 : memref<256x64xf32, #tpu.memory_space<hbm>>)
    %add3A_91 = arith.constant 24832 : i32
    %add3A_92 = arith.addi %mul3A_2, %add3A_91 : i32
    %dma_wait3A_93 = arith.constant 0 : i32
    %dma_wait3A_94 = arith.constant 0 : i32
    %dma_wait3A_95 = tpu.memref_slice %arg4[%add3A_92, %dma_wait3A_93, %dma_wait3A_94] : memref<819200x2x64xf32, #tpu.memory_space<hbm>> -> memref<256x1x64xf32, #tpu.memory_space<hbm>>
    %dma_wait3A_96 = tpu.memref_squeeze %dma_wait3A_95 : memref<256x1x64xf32, #tpu.memory_space<hbm>> -> memref<256x64xf32, #tpu.memory_space<hbm>>
    %dma_wait3A_97 = arith.constant 0 : i32
    %dma_wait3A_98 = tpu.memref_slice %arg4[%add3A_92, %dma_wait3A_93, %dma_wait3A_97] : memref<819200x2x64xf32, #tpu.memory_space<hbm>> -> memref<256x1x64xf32, #tpu.memory_space<hbm>>
    %dma_wait3A_99 = tpu.memref_squeeze %dma_wait3A_98 : memref<256x1x64xf32, #tpu.memory_space<hbm>> -> memref<256x64xf32, #tpu.memory_space<hbm>>
    tpu.wait_dma2 semaphore(%arg15 : memref<!tpu.dma_semaphore, #tpu.memory_space<semaphore_mem>>) src(%arg7 : memref<256x64xf32, #tpu.memory_space<vmem>>) dst(%dma_wait3A_99 : memref<256x64xf32, #tpu.memory_space<hbm>>)
    %add3A_100 = arith.constant 25088 : i32
    %add3A_101 = arith.addi %mul3A_2, %add3A_100 : i32
    %dma_wait3A_102 = arith.constant 0 : i32
    %dma_wait3A_103 = arith.constant 0 : i32
    %dma_wait3A_104 = tpu.memref_slice %arg4[%add3A_101, %dma_wait3A_102, %dma_wait3A_103] : memref<819200x2x64xf32, #tpu.memory_space<hbm>> -> memref<256x1x64xf32, #tpu.memory_space<hbm>>
    %dma_wait3A_105 = tpu.memref_squeeze %dma_wait3A_104 : memref<256x1x64xf32, #tpu.memory_space<hbm>> -> memref<256x64xf32, #tpu.memory_space<hbm>>
    %dma_wait3A_106 = arith.constant 0 : i32
    %dma_wait3A_107 = tpu.memref_slice %arg4[%add3A_101, %dma_wait3A_102, %dma_wait3A_106] : memref<819200x2x64xf32, #tpu.memory_space<hbm>> -> memref<256x1x64xf32, #tpu.memory_space<hbm>>
    %dma_wait3A_108 = tpu.memref_squeeze %dma_wait3A_107 : memref<256x1x64xf32, #tpu.memory_space<hbm>> -> memref<256x64xf32, #tpu.memory_space<hbm>>
    tpu.wait_dma2 semaphore(%arg16 : memref<!tpu.dma_semaphore, #tpu.memory_space<semaphore_mem>>) src(%arg8 : memref<256x64xf32, #tpu.memory_space<vmem>>) dst(%dma_wait3A_108 : memref<256x64xf32, #tpu.memory_space<hbm>>)
    %add3A_109 = arith.constant 25344 : i32
    %add3A_110 = arith.addi %mul3A_2, %add3A_109 : i32
    %dma_wait3A_111 = arith.constant 0 : i32
    %dma_wait3A_112 = arith.constant 0 : i32
    %dma_wait3A_113 = tpu.memref_slice %arg4[%add3A_110, %dma_wait3A_111, %dma_wait3A_112] : memref<819200x2x64xf32, #tpu.memory_space<hbm>> -> memref<256x1x64xf32, #tpu.memory_space<hbm>>
    %dma_wait3A_114 = tpu.memref_squeeze %dma_wait3A_113 : memref<256x1x64xf32, #tpu.memory_space<hbm>> -> memref<256x64xf32, #tpu.memory_space<hbm>>
    %dma_wait3A_115 = arith.constant 0 : i32
    %dma_wait3A_116 = tpu.memref_slice %arg4[%add3A_110, %dma_wait3A_111, %dma_wait3A_115] : memref<819200x2x64xf32, #tpu.memory_space<hbm>> -> memref<256x1x64xf32, #tpu.memory_space<hbm>>
    %dma_wait3A_117 = tpu.memref_squeeze %dma_wait3A_116 : memref<256x1x64xf32, #tpu.memory_space<hbm>> -> memref<256x64xf32, #tpu.memory_space<hbm>>
    tpu.wait_dma2 semaphore(%arg17 : memref<!tpu.dma_semaphore, #tpu.memory_space<semaphore_mem>>) src(%arg9 : memref<256x64xf32, #tpu.memory_space<vmem>>) dst(%dma_wait3A_117 : memref<256x64xf32, #tpu.memory_space<hbm>>)
    return
  }
}

module attributes {stable_mosaic.version = 14 : i64} {
  func.func @_prep_body(%arg0: i32, %arg1: memref<64x16384xf32, #tpu.memory_space<vmem>>, %arg2: memref<16384x128xf32, #tpu.memory_space<vmem>>) attributes {dimension_semantics = [#tpu.dimension_semantics<arbitrary>], iteration_bounds = array<i64: 62>, scalar_prefetch = 0 : i64, scratch_operands = 0 : i64, tpu.core_type = #tpu.core_type<tc>, window_params = [{transform_indices = @transform_0, window_bounds = array<i64: 64, 16384>}, {transform_indices = @transform_1, window_bounds = array<i64: 16384, 128>}]} {
    %get3A = arith.constant 0 : index
    %get3A_0 = arith.constant 0 : index
    %get3A_1 = vector.load %arg1[%get3A, %get3A_0] : memref<64x16384xf32, #tpu.memory_space<vmem>>, vector<64x16384xf32>
    %transpose3A = tpu.transpose %get3A_1, [1, 0] : vector<64x16384xf32> -> vector<16384x64xf32>
    %swap3A = arith.constant 0 : index
    %swap3A_2 = arith.constant 0 : index
    %swap3A_3 = vector.load %arg2[%swap3A, %swap3A_2] : memref<16384x128xf32, #tpu.memory_space<vmem>>, vector<16384x64xf32>
    tpu.vector_store %arg2[%swap3A, %swap3A_2], %transpose3A {strides = array<i32>} : memref<16384x128xf32, #tpu.memory_space<vmem>>, vector<16384x64xf32>,
    %broadcast_in_dim3A = arith.constant 0.000000e+00 : f32
    %broadcast_in_dim3A_4 = vector.broadcast %broadcast_in_dim3A : f32 to vector<16384x64xf32>
    %swap3A_5 = arith.constant 0 : index
    %swap3A_6 = arith.constant 64 : index
    %swap3A_7 = vector.load %arg2[%swap3A_5, %swap3A_6] : memref<16384x128xf32, #tpu.memory_space<vmem>>, vector<16384x64xf32>
    tpu.vector_store %arg2[%swap3A_5, %swap3A_6], %broadcast_in_dim3A_4 {strides = array<i32>} : memref<16384x128xf32, #tpu.memory_space<vmem>>, vector<16384x64xf32>,
    return
  }
  func.func @transform_0(%arg0: i32) -> (i32, i32) {
    %c0_i32 = arith.constant 0 : i32
    %c0_i32_0 = arith.constant 0 : i32
    return %c0_i32, %arg0 : i32, i32
  }
  func.func @transform_1(%arg0: i32) -> (i32, i32) {
    %c0_i32 = arith.constant 0 : i32
    %c0_i32_0 = arith.constant 0 : i32
    return %arg0, %c0_i32 : i32, i32
  }
}

module attributes {stable_mosaic.version = 14 : i64} {
  func.func @_select_transpose_body(%arg0: i32, %arg1: memref<1x4096x128xf32, #tpu.memory_space<vmem>>, %arg2: memref<1x64x4096xf32, #tpu.memory_space<vmem>>) attributes {dimension_semantics = [#tpu.dimension_semantics<arbitrary>], iteration_bounds = array<i64: 200>, scalar_prefetch = 0 : i64, scratch_operands = 0 : i64, tpu.core_type = #tpu.core_type<tc>, window_params = [{transform_indices = @transform_0, window_bounds = array<i64: 1, 4096, 128>}, {transform_indices = @transform_1, window_bounds = array<i64: 1, 64, 4096>}]} {
    %get3A = arith.constant 0 : index
    %get3A_0 = arith.constant 0 : index
    %get3A_1 = arith.constant 0 : index
    %get3A_2 = vector.load %arg1[%get3A, %get3A_0, %get3A_1] : memref<1x4096x128xf32, #tpu.memory_space<vmem>>, vector<1x4096x128xf32>
    %get3A_3 = vector.shape_cast %get3A_2 : vector<1x4096x128xf32> to vector<4096x128xf32>
    %slice3A = vector.extract_strided_slice %get3A_3 {offsets = [0, 0], sizes = [4096, 64], strides = [1, 1]} : vector<4096x128xf32> to vector<4096x64xf32>
    %transpose3A = tpu.transpose %slice3A, [1, 0] : vector<4096x64xf32> -> vector<64x4096xf32>
    %swap3A = arith.constant 0 : index
    %swap3A_4 = arith.constant 0 : index
    %swap3A_5 = arith.constant 0 : index
    %swap3A_6 = vector.load %arg2[%swap3A, %swap3A_4, %swap3A_5] : memref<1x64x4096xf32, #tpu.memory_space<vmem>>, vector<1x64x4096xf32>
    %swap3A_7 = vector.shape_cast %swap3A_6 : vector<1x64x4096xf32> to vector<64x4096xf32>
    %swap3A_8 = vector.shape_cast %transpose3A : vector<64x4096xf32> to vector<1x64x4096xf32>
    tpu.vector_store %arg2[%swap3A, %swap3A_4, %swap3A_5], %swap3A_8 {strides = array<i32>} : memref<1x64x4096xf32, #tpu.memory_space<vmem>>, vector<1x64x4096xf32>,
    return
  }
  func.func @transform_0(%arg0: i32) -> (i32, i32, i32) {
    %c0_i32 = arith.constant 0 : i32
    %c0_i32_0 = arith.constant 0 : i32
    %c0_i32_1 = arith.constant 0 : i32
    return %arg0, %c0_i32, %c0_i32_0 : i32, i32, i32
  }
  func.func @transform_1(%arg0: i32) -> (i32, i32, i32) {
    %c0_i32 = arith.constant 0 : i32
    %c0_i32_0 = arith.constant 0 : i32
    %c0_i32_1 = arith.constant 0 : i32
    return %arg0, %c0_i32, %c0_i32_0 : i32, i32, i32
  }
}

</mosaic_0001>

<sc_bundles>
// kernel: kernel.5.cloned.1.call-start
scs
__scs_entry_jumppad:
0x0: {  	(pc) =	sbr.rel $0x88, $3  }
0x1: {  	(tag) =	ssettag $0x0;
	lr =	simm.s32 $0x1  }
0x2: {  	[smem:$0x3F9F] =	sst lr;
	_ =	strace $0xD0000000  }
0x3: {  	_ = 	snop  }
0x4: {  	_ = 	snop  }
0x5: {  	_ = 	snop  }
0x6: {  	_ = 	snop  }
0x7: {  	_ = 	snop  }
__scs_overlays_trampoline_lowered:
0x8: {  	[smem:$0x3FAE] =	sst s0  }
0x9: {  	[smem:$0x3FAF] =	sst s1  }
0xa: {  	[smem:$0x3FB0] =	sst s2  }
0xb: {  	[smem:$0x3FB1] =	sst s3  }
0xc: {  	[smem:$0x3FB2] =	sst s4  }
0xd: {  	[smem:$0x3FB3] =	sst s5  }
0xe: {  	[smem:$0x3FB4] =	sst s6  }
0xf: {  	[smem:$0x3FB5] =	sst s7  }
0x10: {  	[smem:$0x3FB6] =	sst s8  }
0x11: {  	[smem:$0x3FB7] =	sst s9;
	s0 =	simm.s32 @!p0 $0x0  }
0x12: {  	s1 =	sld [smem:$0x3F9D];
	s0 =	simm.s32 @p0 $0x1  }
0x13: {  	[smem:$0x3FB8] =	sst s0;
	s0 =	simm.s32 @!p1 $0x0  }
0x14: {  	s2 =	sld [smem:$0x3F9C];
	s0 =	simm.s32 @p1 $0x1  }
0x15: {  	[smem:$0x3FB9] =	sst s0;
	s0 =	simm.s32 @!p2 $0x0  }
0x16: {  	s3 =	sld [smem:$0x3FDB];
	s0 =	simm.s32 @p2 $0x1  }
0x17: {  	s4 =	simm.s32 $0x1BF5;
	[smem:$0x3FBB] =	sst s0  }
0x18: {  	s0 =	sld [smem:$0x3F9E];
	_ =	swait.ge [sflag:s4], $0x0  }
0x19: {  	s7 =	sld [smem:$0x3F9F]  }
0x1a: {  	s8 =	sadd.s32 $0xFFFFE003, lr  }
0x1b: {  	s9 =	sadd.s32 $0xFFFFFEF7, lr;
	s5 =	simm.s32 $0xFFFFFFFF;
	p2 =	slt.u32 s8, $0xFFFFF086  }
0x1c: {  	p1 =	slt.u32 s9, $0xF7A;
	s5 =	simm.s32 @!p2 $0x0  }
0x1d: {  	s5 =	simm.s32 @p1 $0x1;
	p0 =	seq.s32 s7, s2  }
0x1e: {  	s7 =	smul.u32 @!p0 $0xF7A, s2;
	p2 =	seq.s32 @!p0 s5, $0x0  }
0x1f: {  	s9 =	smul.u32 $0xF7A, s1;
	s8 =	simm.s32 @!p0 $0x1BF5;
	p2 =	por !p2, p0  }
0x20: {  	[sflag:s8] =	ssyncset.s32 @!p0 $0xFFFFF086;
	s6 =	sadd.s32 @!p0 s3, s7;
	s7 =	simm.s32 @!p0 $0x108  }
0x21: {  	s3 =	sadd.s32 s3, s9;
	s6 =	sadd.s32 @!p0 $0x88, s6;
	s7 =	simm.s32 @p2 $0x1082  }
0x22: {  	[simem:s7], [sflag:s8] =	dma.local @!p0 [hbm:s6], $0xF7A  }
0x23: {  	s9 =	sor.u32 $0xD0000000, s2;
	s6 =	simm.s32 $0x108;
	_ =	swait.ge @!p0 [sflag:s8], $0x0  }
0x24: {  	s3 =	sadd.s32 $0x88, s3;
	s6 =	simm.s32 @!p1 $0x1082;
	[sflag:s4] =	ssyncset.s32 $0xFFFFF086  }
0x25: {  	[simem:s6], [sflag:s4] =	dma.local [hbm:s3], $0xF7A  }
0x26: {  	[smem:$0x3F9F] =	sst s1;
	(tag) =	ssettag s2;
	_ =	strace s9  }
0x27: {  	s1 =	sld [smem:$0x3FAF]  }
0x28: {  	s2 =	sld [smem:$0x3FB0]  }
0x29: {  	s4 =	sld [smem:$0x3FB2]  }
0x2a: {  	p0 =	seq.s32 s5, $0x0;
	s5 =	sld [smem:$0x3FB3]  }
0x2b: {  	s6 =	sld [smem:$0x3FB4]  }
0x2c: {  	s7 =	sld [smem:$0x3FB5]  }
0x2d: {  	s3 =	simm.s32 $0x108;
	s8 =	sld [smem:$0x3FB6]  }
0x2e: {  	s3 =	simm.s32 @!p0 $0x1082;
	s9 =	sld [smem:$0x3FB7]  }
0x2f: {  	lr =	sadd.s32 s0, s3;
	s0 =	sld [smem:$0x3FAE]  }
0x30: {  	s3 =	sld [smem:$0x3FB1]  }
0x31: {  	[smem:$0x3FBA] =	sst s10  }
0x32: {  	s10 =	sld [smem:$0x3FB8];
	_ =	sdelay $0x3  }
0x33: {  	p0 =	seq.s32 s10, $0x1;
	s10 =	sld [smem:$0x3FBA];
	_ =	sdelay $0x3  }
0x34: {  	[smem:$0x3FBA] =	sst s10  }
0x35: {  	s10 =	sld [smem:$0x3FB9];
	_ =	sdelay $0x3  }
0x36: {  	p1 =	seq.s32 s10, $0x1;
	s10 =	sld [smem:$0x3FBA];
	_ =	sdelay $0x3  }
0x37: {  	[smem:$0x3FBA] =	sst s10  }
0x38: {  	s10 =	sld [smem:$0x3FBB]  }
0x39: {  	_ = 	snop;
	(pc) =	sbr.ind lr, $3  }
0x3a: {  	_ = 	snop  }
0x3b: {  	_ = 	snop  }
0x3c: {  	p2 =	seq.s32 s10, $0x1;
	s10 =	sld [smem:$0x3FBA]  }
0x3d: {  	_ =	shalt  }
0x3e: {  	_ =	shalt  }
0x3f: {  	_ =	shalt  }
0x40: {  	_ =	shalt  }
0x41: {  	_ =	shalt  }
0x42: {  	_ =	shalt  }
0x43: {  	_ =	shalt  }
0x44: {  	_ =	shalt  }
0x45: {  	_ =	shalt  }
0x46: {  	_ =	shalt  }
0x47: {  	_ =	shalt  }
0x48: {  	_ =	shalt  }
0x49: {  	_ =	shalt  }
0x4a: {  	_ =	shalt  }
0x4b: {  	_ =	shalt  }
0x4c: {  	_ =	shalt  }
0x4d: {  	_ =	shalt  }
0x4e: {  	_ =	shalt  }
0x4f: {  	_ =	shalt  }
0x50: {  	_ =	shalt  }
0x51: {  	_ =	shalt  }
0x52: {  	_ =	shalt  }
0x53: {  	_ =	shalt  }
0x54: {  	_ =	shalt  }
0x55: {  	_ =	shalt  }
0x56: {  	_ =	shalt  }
0x57: {  	_ =	shalt  }
0x58: {  	_ =	shalt  }
0x59: {  	_ =	shalt  }
0x5a: {  	_ =	shalt  }
0x5b: {  	_ =	shalt  }
0x5c: {  	_ =	shalt  }
0x5d: {  	_ =	shalt  }
0x5e: {  	_ =	shalt  }
0x5f: {  	_ =	shalt  }
0x60: {  	_ =	shalt  }
0x61: {  	_ =	shalt  }
0x62: {  	_ =	shalt  }
0x63: {  	_ =	shalt  }
0x64: {  	_ =	shalt  }
0x65: {  	_ =	shalt  }
0x66: {  	_ =	shalt  }
0x67: {  	_ =	shalt  }
0x68: {  	_ =	shalt  }
0x69: {  	_ =	shalt  }
0x6a: {  	_ =	shalt  }
0x6b: {  	_ =	shalt  }
0x6c: {  	_ =	shalt  }
0x6d: {  	_ =	shalt  }
0x6e: {  	_ =	shalt  }
0x6f: {  	_ =	shalt  }
0x70: {  	_ =	shalt  }
0x71: {  	_ =	shalt  }
0x72: {  	_ =	shalt  }
0x73: {  	_ =	shalt  }
0x74: {  	_ =	shalt  }
0x75: {  	_ =	shalt  }
0x76: {  	_ =	shalt  }
0x77: {  	_ =	shalt  }
0x78: {  	_ =	shalt  }
0x79: {  	_ =	shalt  }
0x7a: {  	_ =	shalt  }
0x7b: {  	_ =	shalt  }
0x7c: {  	_ =	shalt  }
0x7d: {  	_ =	shalt  }
0x7e: {  	_ =	shalt  }
0x7f: {  	_ =	shalt  }
0x80: {  	_ =	shalt  }
0x81: {  	_ =	shalt  }
0x82: {  	_ =	shalt  }
0x83: {  	_ =	shalt  }
0x84: {  	_ =	shalt  }
0x85: {  	_ =	shalt  }
0x86: {  	_ =	shalt  }
0x87: {  	_ =	shalt  }
.Lfunc_end0:
.L_simem_size_0:
called_computation_lowered:
.L_overlay_start_0:
0x88: {  	s2 =	sld [smem:$0x3FD9]  }
0x89: {  	s3 =	sld [smem:$0x3FFE];
	_ =	sdelay $0x1  }
0x8a: {  	s1 =	srdreg.scid  }
0x8b: {  	s0 =	sand.u32 $0x1, s1  }
0x8c: {  	s17 =	sshll.u32 s0, $0xA;
	s2 =	sadd.s32 s3, s2  }
0x8d: {  	s2 =	sadd.s32 s2, s17  }
0x8e: {  	[smem:$0x3FC6] =	sst s2  }
0x8f: {  	_ = 	snop  }
0x90: {  	s2 =	sld [smem:$0x3FD0];
	(tm) =	ssettm $0x1  }
0x91: {  	s18 =	sld [smem:$0x3FFB];
	_ =	sdelay $0x3  }
0x92: {  	_ =	strace s18  }
0x93: {  	s3 =	sld [smem:$0x3FFC];
	_ =	sdelay $0x3  }
0x94: {  	_ =	strace s3  }
0x95: {  	s3 =	sld [smem:$0x3FFD];
	_ =	sdelay $0x3  }
0x96: {  	_ =	strace s3  }
0x97: {  	_ =	strace $0x8FFFFFFF  }
0x98: {  	s19 =	sld [smem:$0x3FDB];
	_ =	sdelay $0x1  }
0x99: {  	s4 =	simm.s32 $_scs_section_size  }
0x9a: {  	s5 =	simm.s32 $_size__tile_overlayer_lowered;
	s6 =	simm.s32 $_tile_overlayer_lowered  }
0x9b: {  	s22 =	simm.s32 $0x1BFF;
	s21 =	sshll.u32 s6, $0x1;
	s3 =	sadd.s32 s4, s19  }
0x9c: {  	s7 =	simm.s32 $0x0;
	s20 =	sshll.u32 s5, $0x1;
	s5 =	sadd.s32 s21, s3  }
0x9d: {  	[timem:s7], [sflag:s22] =	dma.local [hbm:s5], s20  }
0x9e: {  	_ =	swait.ge [sflag:s22], s20  }
0x9f: {  	s4 =	ssub.s32 $0x0, s20;
	[sflag:s22] =	ssyncset.done $0x0  }
0xa0: {  	[sflag:s22] =	ssyncadd.s32 s4;
	_ =	sdelay $0x1  }
0xa1: {  	s23 =	simm.s32 $0x1B8B  }
0xa2: {  	_ =	swait.ge [sflag:s23], $0x1  }
0xa3: {  	[sflag:s23] =	ssyncset.done $0x0  }
0xa4: {  	s25 =	simm.s32 $0x1B8E;
	s24 =	sld [smem:$0x3FFE];
	[sflag:s23] =	ssyncadd.s32 $0xFFFFFFFF  }
0xa5: {  	s26 =	simm.s32 $execute0_lowered;
	[smem:$0x3FD2] =	sst s25  }
0xa6: {  	s5 =	sshll.u32 s26, $0x1;
	_ =	strace $0x80000046;
	[dreg:$0x1] =	wrdreg $0xFFFFFFFF  }
0xa7: {  	s28 =	simm.s32 $_size_execute0_lowered;
	s3 =	sadd.s32 s3, s5;
	[dreg:$0x0] =	wrdreg $0x0  }
0xa8: {  	s5 =	sshll.u32 s28, $0x1;
	[dreg:$0x2] =	wrdreg s3  }
0xa9: {  	[dreg:$0x3] =	wrdreg s5  }
0xaa: {  	[dreg:$0x4] =	wrdreg $0xC0  }
0xab: {  	_ =	task [dreg:s7], $0x5FFFF  }
0xac: {  	[dreg:$0x1] =	wrdreg $0xFFFFFFFF  }
0xad: {  	[dreg:$0x0] =	wrdreg $0x60  }
0xae: {  	[dreg:$0x2] =	wrdreg s2  }
0xaf: {  	[dreg:$0x3] =	wrdreg s24  }
0xb0: {  	[dreg:$0x4] =	wrdreg $0x9  }
0xb1: {  	_ =	task.clear_ibuf [dreg:s7], $0x5FFFF;
	_ =	strace $0x90000046  }
0xb2: {  	s29 =	simm.s32 $0x9;
	_ =	strace $0x80000048  }
0xb3: {  	_ =	swait.ge [sflag:s29], $0x1  }
0xb4: {  	[sflag:s29] =	ssyncadd.s32 $0xFFFFFFFF  }
0xb5: {  	_ =	strace $0x90000048  }
0xb6: {  	_ =	sfence  }
0xb7: {  	s30 =	sld [smem:$0x0];
	_ =	sdelay $0x2  }
0xb8: {  	s31 =	sshll.u32 s1, $0xD;
	s1 =	sshrl.u32 s1, $0x2  }
0xb9: {  	s3 =	sand.u32 $0x4000, s31;
	s1 =	sadd.s32 s1, s30  }
0xba: {  	s0 =	sor.u32 s3, s0;
	s1 =	sshll.u32 s1, $0x11  }
0xbb: {  	s0 =	sor.u32 s1, s0  }
0xbc: {  	s0 =	sadd.s32 $0x8F2B, s0  }
0xbd: {  	[sflag:s0] =	ssyncadd.remote.s32 $0x1  }
0xbe: {  	_ =	sfence.sel $0xFFFF  }
0xbf: {  	[dreg:$0x0] =	wrdreg $0xFFFFFFFF;
	(pc) =	sbr.abs _section_cstart, $3  }
0xc0: {  	[dreg:$0x1] =	wrdreg $0xFFFFFFFF  }
0xc1: {  	_ =	task.clear_ibuf [dreg:s7], $0x2FFFF;
	_ =	strace $0x9FFFFFFF  }
0xc2: {  	(tm) =	ssettm $0x7FFFFFFF  }
0xc3: {  	_ =	shalt  }
tec
execute0_lowered:
.L_overlay_start_1:
0x0: {  	(tag) =	ssettag $0x1  }
0x1: {  	s0 =	rddreg [dreg:$0x0];
	s1 =	srdreg.scid  }
0x2: {  	s10 =	stileid.u32;
	s2 =	rddreg [dreg:$0x1]  }
0x3: {  	s4 =	simm.s32 $0x0;
	s14 =	simm.s32 $0x9;
	s15 =	simm.s32 $0x100  }
0x4: {  	s16 =	simm.s32 $0x6400;
	s17 =	simm.s32 $0xA400;
	s8 =	smul.u32 $0x640000, s10  }
0x5: {  	s28 =	simm.s32 $0x6;
	s1 =	sand.u32 $0x1, s1;
	s19 =	smul.u32 $0xC800, s10  }
0x6: {  	s29 =	simm.s32 $0x3;
	s3 =	sshll.u32 s10, $0x1;
	s21 =	smul.u32 $0x6400, s1  }
0x7: {  	s3 =	sor.u32 s1, s3;
	s5 =	ssub.s32 $0x2, s1;
	s1 =	smul.u32 $0x320000, s1  }
0x8: {  	s30 =	simm.s32 $0x7;
	[smem:$0x7FF] =	sst s4;
	s18 =	smul.u32 $0x6400, s3  }
0x9: {  	s31 =	simm.s32 $0x4;
	_ =	strace $0x80000047;
	s6 =	smul.u32 $0x320000, s3  }
0xa: {  	s3 =	sadd.s32 $0x400, s2;
	s7 =	sshrl.u32 s5, $0x1;
	s2 =	sadd.s32 $0xF42800, s2  }
0xb: {  	s9 =	ssub.s32 s5, s7;
	s24 =	sadd.s32 s21, s19;
	s1 =	sadd.s32 s1, s8  }
0xc: {  	s19 =	simm.s32 $0xE400;
	s21 =	simm.s32 $0x12400;
	s4 =	sshrl.u32 s18, $0x3  }
0xd: {  	s20 =	sshrl.u32 s6, $0x3;
	s25 =	sshrl.u32 s1, $0x3;
	s9 =	smax.u32 s9, $0x1  }
0xe: {  	s1 =	simm.s32 $0x8;
	s0 =	sadd.s32 s0, s4;
	s22 =	sadd.s32 s2, s20  }
0xf: {  	s4 =	sshll.u32 s24, $0x4;
	s10 =	sadd.s32 s25, s2;
	s24 =	simm.s32 $0x80  }
0x10: {  	s25 =	simm.s32 $0x5;
	[dreg:$0x3] =	wrdreg s0;
	s23 =	sadd.s32 $0x60000, s22  }
0x11: {  	s6 =	sadd.s32 $0x61000, s22;
	s7 =	sadd.s32 $0x62000, s22;
	s8 =	sadd.s32 $0x63000, s22  }
0x12: {  	s26 =	sadd.s32 s4, s2;
	s22 =	simm.s32 $0x1;
	s0 =	simm.s32 $0x0  }
0x13: {  	[dreg:$0x4] =	wrdreg s23;
	s11 =	sadd.s32 $0x3000, s26;
	s12 =	sadd.s32 $0x2000, s26  }
0x14: {  	s13 =	sadd.s32 $0x1000, s26;
	s23 =	simm.s32 $0x40;
	s26 =	simm.s32 $0x2  }
.LBB2_1:
0x15: {  	s2 =	simm.s32 $0x0;
	s4 =	rddreg [dreg:$0x3]  }
0x16: {  	[tilespmem:s2], [sflag:$0x9] =	stream.linear.gather [hbm4b:s4+s2], $0x6400, $0x38;
	[tilespmem:$0x16400] =	vst v63  }
0x17: {  	_ =	swait.ge [sflag:s14], $0x6400  }
0x18: {  	[sflag:s14] =	ssyncset.done $0x0  }
0x19: {  	[sflag:s14] =	ssyncadd.s32 $0xFFFF9C00  }
0x1a: {  	[tilespmem:s16], [sflag:$0x1] =	stream.indirect.gather [hbm4b:s3+s15], $0x40, s2, s15, $0xb8;
	[tilespmem:$0x16400] =	vst v63  }
0x1b: {  	_ = 	snop  }
0x1c: {  	[tilespmem:s17], [sflag:$0x2] =	stream.indirect.gather [hbm4b:s3+s15], $0x40, s15, s15, $0xb8;
	[tilespmem:$0x16400] =	vst v63  }
0x1d: {  	s20 =	simm.s32 $0x200  }
0x1e: {  	[tilespmem:s19], [sflag:$0x3] =	stream.indirect.gather [hbm4b:s3+s15], $0x40, s20, s15, $0xb8;
	[tilespmem:$0x16400] =	vst v63  }
0x1f: {  	s4 =	simm.s32 $0x300  }
0x20: {  	[tilespmem:s21], [sflag:$0x4] =	stream.indirect.gather [hbm4b:s3+s15], $0x40, s4, s15, $0xb8;
	[tilespmem:$0x16400] =	vst v63  }
0x21: {  	_ =	swait.ge [sflag:s22], $0x4000  }
0x22: {  	[sflag:s22] =	ssyncset.done $0x0  }
0x23: {  	s5 =	sadd.s32 $0x0, s10;
	[sflag:s22] =	ssyncadd.s32 $0xFFFFC000  }
0x24: {  	[hbm4b:s5+s23] =	stream.strided.scatter [tilespmem:s16], [sflag:$0x5], $0x4000, s24, s23, $0x38;
	[tilespmem:$0x16400] =	vst v63  }
0x25: {  	_ =	swait.ge [sflag:s25], $0x4000  }
0x26: {  	[sflag:s25] =	ssyncset.done $0x0  }
0x27: {  	s18 =	simm.s32 $0x400;
	[sflag:s25] =	ssyncadd.s32 $0xFFFFC000  }
0x28: {  	[tilespmem:s16], [sflag:$0x1] =	stream.indirect.gather [hbm4b:s3+s15], $0x40, s18, s15, $0xb8;
	[tilespmem:$0x16400] =	vst v63  }
0x29: {  	_ =	swait.ge [sflag:s26], $0x4000  }
0x2a: {  	[sflag:s26] =	ssyncset.done $0x0  }
0x2b: {  	s20 =	sadd.s32 $0x0, s13;
	[sflag:s26] =	ssyncadd.s32 $0xFFFFC000  }
0x2c: {  	[hbm4b:s20+s23] =	stream.strided.scatter [tilespmem:s17], [sflag:$0x6], $0x4000, s24, s23, $0x38;
	[tilespmem:$0x16400] =	vst v63  }
0x2d: {  	_ =	swait.ge [sflag:s28], $0x4000  }
0x2e: {  	[sflag:s28] =	ssyncset.done $0x0  }
0x2f: {  	s4 =	simm.s32 $0x500;
	[sflag:s28] =	ssyncadd.s32 $0xFFFFC000  }
0x30: {  	[tilespmem:s17], [sflag:$0x2] =	stream.indirect.gather [hbm4b:s3+s15], $0x40, s4, s15, $0xb8;
	[tilespmem:$0x16400] =	vst v63  }
0x31: {  	_ =	swait.ge [sflag:s29], $0x4000  }
0x32: {  	[sflag:s29] =	ssyncset.done $0x0  }
0x33: {  	s5 =	sadd.s32 $0x0, s12;
	[sflag:s29] =	ssyncadd.s32 $0xFFFFC000  }
0x34: {  	[hbm4b:s5+s23] =	stream.strided.scatter [tilespmem:s19], [sflag:$0x7], $0x4000, s24, s23, $0x38;
	[tilespmem:$0x16400] =	vst v63  }
0x35: {  	_ =	swait.ge [sflag:s30], $0x4000  }
0x36: {  	[sflag:s30] =	ssyncset.done $0x0  }
0x37: {  	s18 =	simm.s32 $0x600;
	[sflag:s30] =	ssyncadd.s32 $0xFFFFC000  }
0x38: {  	[tilespmem:s19], [sflag:$0x3] =	stream.indirect.gather [hbm4b:s3+s15], $0x40, s18, s15, $0xb8;
	[tilespmem:$0x16400] =	vst v63  }
0x39: {  	_ =	swait.ge [sflag:s31], $0x4000  }
0x3a: {  	[sflag:s31] =	ssyncset.done $0x0  }
0x3b: {  	s20 =	sadd.s32 $0x0, s11;
	[sflag:s31] =	ssyncadd.s32 $0xFFFFC000  }
0x3c: {  	[hbm4b:s20+s23] =	stream.strided.scatter [tilespmem:s21], [sflag:$0x8], $0x4000, s24, s23, $0x38;
	[tilespmem:$0x16400] =	vst v63  }
0x3d: {  	_ =	swait.ge [sflag:s1], $0x4000  }
0x3e: {  	s2 =	simm.s32 $0xB00;
	[sflag:s1] =	ssyncset.done $0x0  }
0x3f: {  	s18 =	simm.s32 $0x700;
	s20 =	simm.s32 $0x4000;
	[sflag:s1] =	ssyncadd.s32 $0xFFFFC000  }
.LBB2_2:
0x40: {  	[tilespmem:s21], [sflag:$0x4] =	stream.indirect.gather [hbm4b:s3+s15], $0x40, s18, s15, $0xb8;
	[tilespmem:$0x16400] =	vst v63  }
0x41: {  	s4 =	smov.u32 s20;
	s18 =	smov.u32 s2  }
0x42: {  	p0 =	sne.s32 s20, $0x5C000;
	s20 =	sadd.s32 $0x4000, s20;
	_ =	swait.ge [sflag:s22], $0x4000  }
0x43: {  	[sflag:s22] =	ssyncset.done $0x0  }
0x44: {  	s5 =	sadd.s32 s4, s10;
	[sflag:s22] =	ssyncadd.s32 $0xFFFFC000  }
0x45: {  	[hbm4b:s5+s23] =	stream.strided.scatter [tilespmem:s16], [sflag:$0x5], $0x4000, s24, s23, $0x38;
	[tilespmem:$0x16400] =	vst v63  }
0x46: {  	_ =	swait.ge [sflag:s25], $0x4000  }
0x47: {  	[sflag:s25] =	ssyncset.done $0x0  }
0x48: {  	s5 =	sadd.s32 $0xFFFFFD00, s2;
	[sflag:s25] =	ssyncadd.s32 $0xFFFFC000  }
0x49: {  	[tilespmem:s16], [sflag:$0x1] =	stream.indirect.gather [hbm4b:s3+s15], $0x40, s5, s15, $0xb8;
	[tilespmem:$0x16400] =	vst v63  }
0x4a: {  	_ =	swait.ge [sflag:s26], $0x4000  }
0x4b: {  	[sflag:s26] =	ssyncset.done $0x0  }
0x4c: {  	s5 =	sadd.s32 s4, s13;
	[sflag:s26] =	ssyncadd.s32 $0xFFFFC000  }
0x4d: {  	[hbm4b:s5+s23] =	stream.strided.scatter [tilespmem:s17], [sflag:$0x6], $0x4000, s24, s23, $0x38;
	[tilespmem:$0x16400] =	vst v63  }
0x4e: {  	_ =	swait.ge [sflag:s28], $0x4000  }
0x4f: {  	[sflag:s28] =	ssyncset.done $0x0  }
0x50: {  	s5 =	sadd.s32 $0xFFFFFE00, s2;
	[sflag:s28] =	ssyncadd.s32 $0xFFFFC000  }
0x51: {  	[tilespmem:s17], [sflag:$0x2] =	stream.indirect.gather [hbm4b:s3+s15], $0x40, s5, s15, $0xb8;
	[tilespmem:$0x16400] =	vst v63  }
0x52: {  	_ =	swait.ge [sflag:s29], $0x4000  }
0x53: {  	[sflag:s29] =	ssyncset.done $0x0  }
0x54: {  	s5 =	sadd.s32 s4, s12;
	[sflag:s29] =	ssyncadd.s32 $0xFFFFC000  }
0x55: {  	[hbm4b:s5+s23] =	stream.strided.scatter [tilespmem:s19], [sflag:$0x7], $0x4000, s24, s23, $0x38;
	[tilespmem:$0x16400] =	vst v63  }
0x56: {  	_ =	swait.ge [sflag:s30], $0x4000  }
0x57: {  	[sflag:s30] =	ssyncset.done $0x0  }
0x58: {  	s5 =	sadd.s32 $0xFFFFFF00, s2;
	[sflag:s30] =	ssyncadd.s32 $0xFFFFC000  }
0x59: {  	[tilespmem:s19], [sflag:$0x3] =	stream.indirect.gather [hbm4b:s3+s15], $0x40, s5, s15, $0xb8;
	[tilespmem:$0x16400] =	vst v63  }
0x5a: {  	_ =	swait.ge [sflag:s31], $0x4000  }
0x5b: {  	[sflag:s31] =	ssyncset.done $0x0  }
.Ltmp0:
0x5c: {  	s4 =	sadd.s32 s4, s11;
	[sflag:s31] =	ssyncadd.s32 $0xFFFFC000;
	(pc) =	sbr.rel @p0 .LBB2_2-.Ltmp0, $4  }
0x5d: {  	[hbm4b:s4+s23] =	stream.strided.scatter [tilespmem:s21], [sflag:$0x8], $0x4000, s24, s23, $0x38;
	[tilespmem:$0x16400] =	vst v63  }
0x5e: {  	_ =	swait.ge [sflag:s1], $0x4000  }
0x5f: {  	[sflag:s1] =	ssyncset.done $0x0  }
0x60: {  	s2 =	sadd.s32 $0x400, s2;
	[sflag:s1] =	ssyncadd.s32 $0xFFFFC000  }
0x61: {  	[tilespmem:s21], [sflag:$0x4] =	stream.indirect.gather [hbm4b:s3+s15], $0x40, s18, s15, $0xb8;
	[tilespmem:$0x16400] =	vst v63  }
0x62: {  	_ =	swait.ge [sflag:s22], $0x4000  }
0x63: {  	[sflag:s22] =	ssyncset.done $0x0  }
0x64: {  	s2 =	rddreg [dreg:$0x4];
	[sflag:s22] =	ssyncadd.s32 $0xFFFFC000  }
0x65: {  	[hbm4b:s2+s23] =	stream.strided.scatter [tilespmem:s16], [sflag:$0x5], $0x4000, s24, s23, $0x38;
	[tilespmem:$0x16400] =	vst v63  }
0x66: {  	_ =	swait.ge [sflag:s26], $0x4000  }
0x67: {  	[sflag:s26] =	ssyncset.done $0x0  }
0x68: {  	[sflag:s26] =	ssyncadd.s32 $0xFFFFC000  }
0x69: {  	[hbm4b:s6+s23] =	stream.strided.scatter [tilespmem:s17], [sflag:$0x6], $0x4000, s24, s23, $0x38;
	[tilespmem:$0x16400] =	vst v63  }
0x6a: {  	_ =	swait.ge [sflag:s29], $0x4000  }
0x6b: {  	[sflag:s29] =	ssyncset.done $0x0  }
0x6c: {  	[sflag:s29] =	ssyncadd.s32 $0xFFFFC000  }
0x6d: {  	[hbm4b:s7+s23] =	stream.strided.scatter [tilespmem:s19], [sflag:$0x7], $0x4000, s24, s23, $0x38;
	[tilespmem:$0x16400] =	vst v63  }
0x6e: {  	_ =	swait.ge [sflag:s31], $0x4000  }
0x6f: {  	[sflag:s31] =	ssyncset.done $0x0  }
0x70: {  	[sflag:s31] =	ssyncadd.s32 $0xFFFFC000  }
0x71: {  	[hbm4b:s8+s23] =	stream.strided.scatter [tilespmem:s21], [sflag:$0x8], $0x4000, s24, s23, $0x38;
	[tilespmem:$0x16400] =	vst v63  }
0x72: {  	_ =	swait.ge [sflag:s25], $0x4000  }
0x73: {  	[sflag:s25] =	ssyncset.done $0x0  }
0x74: {  	[sflag:s25] =	ssyncadd.s32 $0xFFFFC000  }
0x75: {  	_ =	swait.ge [sflag:s28], $0x4000  }
0x76: {  	[sflag:s28] =	ssyncset.done $0x0  }
0x77: {  	s0 =	sadd.s32 $0x1, s0;
	[sflag:s28] =	ssyncadd.s32 $0xFFFFC000  }
0x78: {  	p0 =	sne.s32 s0, s9;
	_ =	swait.ge [sflag:s30], $0x4000  }
.Ltmp1:
0x79: {  	[sflag:s30] =	ssyncset.done $0x0;
	(pc) =	sbr.rel @p0 .LBB2_1-.Ltmp1, $4  }
0x7a: {  	[sflag:s30] =	ssyncadd.s32 $0xFFFFC000  }
0x7b: {  	_ =	swait.ge [sflag:s1], $0x4000  }
0x7c: {  	[sflag:s1] =	ssyncset.done $0x0  }
0x7d: {  	[sflag:s1] =	ssyncadd.s32 $0xFFFFC000  }
0x7e: {  	_ =	sfence.sel $0x180000  }
0x7f: {  	[bflag:$0x0] =	sbarrier.arrive $0xFFFF  }
0x80: {  	_ =	strace $0x90000047  }
0x81: {  	s0 =	stileid.u32;
	[bflag:$0x2] =	sbarrier.arrive $0xFFFF  }
0x82: {  	p0 =	sne.s32 s0, $0x0;
	s0 =	rddreg [dreg:$0x2]  }
0x83: {  	s0 =	sadd.s32 @!p0 $0x100000, s0  }
0x84: {  	[sflag:s0] =	ssyncadd.tile.s32 @!p0 $0x1;
	_ =	shalt  }
.Lfunc_end2:
_tile_overlayer_lowered:
.L_overlay_start_2:
0x85: {  	(tag) =	ssettag $0x2  }
0x86: {  	s0 =	rddreg [dreg:$0x0];
	s2 =	stileid.u32  }
0x87: {  	s1 =	rddreg [dreg:$0x1];
	p0 =	sne.s32 s2, $0x0  }
0x88: {  	s3 =	rddreg [dreg:$0x2];
	[bflag:$0x3] =	sbarrier.arrive $0xFFFF;
	s2 =	simm.s32 @!p0 $0x1C09  }
0x89: {  	[timem:s3], [sflag:s2] =	dma.local @!p0 [hbm:s0], s1  }
0x8a: {  	s0 =	simm.s32 @!p0 $0x9  }
0x8b: {  	_ =	swait.ge @!p0 [sflag:s0], s1  }
0x8c: {  	s1 =	ssub.s32 @!p0 $0x0, s1;
	[sflag:s0] =	ssyncset.done @!p0 $0x0  }
0x8d: {  	[sflag:s0] =	ssyncadd.s32 @!p0 s1  }
0x8e: {  	[bflag:$0x3] =	sbarrier.arrive $0xFFFF  }
0x8f: {  	_ =	shalt  }

</sc_bundles>
